<compile_context>
chip_gen: v7x
topology: tpu7x:2x2x1
jax: 0.10.2.dev20260603
libtpu: 0.0.44.dev20260713+nightly
codegen_flags: <defaults>
</compile_context>

<pallas_src>
import functools

import jax
import jax.numpy as jnp
from jax import lax
from jax.experimental import pallas as pl
from jax.experimental.pallas import tpu as pltpu
from jax.experimental.pallas import tpu_sc as plsc

N = 10000
E = 160000
D = 256
G = 64

NSC = 2
NTILES = 16
NW = NSC * NTILES
NPAD = 10240
EPT = E // NW

_MESH = dict(core_axis_name="c", subcore_axis_name="s")


def _fill(ref, start, count16, vec):
    def body(i, _):
        ref[pl.ds(start + i * 16, 16)] = vec
        return 0
    lax.fori_loop(0, count16, body, 0)


def _deg_body(row_hbm, out_hbm, idx_v, val_v, zb_v, deg_sh):
    c = lax.axis_index("c")
    s = lax.axis_index("s")
    w = c * NTILES + s
    zsl = NPAD // NTILES
    _fill(zb_v, 0, zsl // 16, jnp.zeros((16,), jnp.float32))
    pltpu.sync_copy(zb_v, deg_sh.at[pl.ds(s * zsl, zsl)])
    _fill(val_v, 0, EPT // 16 + 1, jnp.ones((16,), jnp.float32))
    pltpu.sync_copy(row_hbm.at[pl.ds(w * EPT, EPT)], idx_v)
    plsc.subcore_barrier()
    pltpu.sync_copy(val_v.at[pl.ds(0, EPT)], deg_sh.at[idx_v], add=True)
    plsc.subcore_barrier()
    pltpu.sync_copy(deg_sh.at[pl.ds(s * zsl, zsl)], out_hbm.at[c, pl.ds(s * zsl, zsl)])


CE = 80
EPTP = 10240
NCH = EPTP // CE
DH = D // NSC


NBUF = 4


def _edge_body(row_hbm, col_hbm, eid_hbm, hx_hbm, ctab_hbm, dis_hbm, out_hbm,
               rowb, colb, eidb, nrmb, db, agg_sh, sem0, sem1, sem2, sem3,
               ssem0, ssem1, ssem2, ssem3):
    c = lax.axis_index("c")
    s = lax.axis_index("s")
    sems = (sem0, sem1, sem2, sem3)
    ssems = (ssem0, ssem1, ssem2, ssem3)
    zsl = NPAD // NTILES
    z16 = jnp.zeros((16,), jnp.float32)

    def zfill(t, _):
        for k in range(DH // 16):
            db[0, t, pl.ds(k * 16, 16)] = z16
        return 0
    lax.fori_loop(0, CE, zfill, 0)

    def zcp(t, _):
        pltpu.sync_copy(db.at[0], agg_sh.at[pl.ds(s * zsl + t * CE, CE)])
        return 0
    lax.fori_loop(0, zsl // CE, zcp, 0)
    plsc.subcore_barrier()

    def wait_scatter(b):
        pltpu.make_async_copy(db.at[b], agg_sh.at[colb.at[b]], ssems[b]).wait()

    def fire1(b, i):
        @pl.when(i >= NBUF)
        def _():
            wait_scatter(b)
        base = s * EPTP + i * CE
        pltpu.sync_copy(row_hbm.at[pl.ds(base, CE)], rowb.at[b])
        pltpu.sync_copy(col_hbm.at[pl.ds(base, CE)], colb.at[b])
        pltpu.sync_copy(eid_hbm.at[pl.ds(base, CE)], eidb.at[b])
        pltpu.async_copy(ctab_hbm.at[c].at[eidb.at[b]], db.at[b], sems[b])
        pltpu.async_copy(dis_hbm.at[rowb.at[b]], nrmb.at[b], sems[b])

    def wait1(b):
        pltpu.make_async_copy(ctab_hbm.at[c].at[eidb.at[b]], db.at[b], sems[b]).wait()
        pltpu.make_async_copy(dis_hbm.at[rowb.at[b]], nrmb.at[b], sems[b]).wait()

    def fire2(b):
        pltpu.async_copy(hx_hbm.at[c].at[rowb.at[b]], db.at[b], sems[b], add=True)

    def wait2(b):
        pltpu.make_async_copy(hx_hbm.at[c].at[rowb.at[b]], db.at[b], sems[b]).wait()

    def compute_scatter(b):
        def egrp(g, _):
            nv16 = nrmb[b, pl.ds(g * 16, 16)]
            for jj in range(16):
                j = g * 16 + jj
                nv = nv16[jj]
                for k in range(DH // 16):
                    sl = pl.ds(k * 16, 16)
                    db[b, j, sl] = nv * jnp.maximum(db[b, j, sl], 0.0)
            return 0
        lax.fori_loop(0, CE // 16, egrp, 0)
        pltpu.async_copy(db.at[b], agg_sh.at[colb.at[b]], ssems[b], add=True)

    fire1(0, 0)
    wait1(0)
    fire2(0)
    fire1(1, 1)

    def group(g, _):
        i0 = NBUF * g
        for j in range(NBUF):
            i = i0 + j
            b = j
            b1 = (j + 1) % NBUF
            b2 = (j + 2) % NBUF
            wait2(b)

            @pl.when(i + 1 < NCH)
            def _():
                wait1(b1)
                fire2(b1)

            @pl.when(i + 2 < NCH)
            def _():
                fire1(b2, i + 2)
            compute_scatter(b)
        return 0

    lax.fori_loop(0, NCH // NBUF, group, 0)
    for b in range(NBUF):
        wait_scatter(b)
    plsc.subcore_barrier()
    pltpu.sync_copy(agg_sh.at[pl.ds(s * zsl, zsl)],
                    out_hbm.at[c, pl.ds(s * zsl, zsl)])


@jax.jit
def _edge_call(row, col, eid, hx3, ctab3, dis):
    mesh = plsc.VectorSubcoreMesh(**_MESH)
    f = pl.kernel(
        _edge_body,
        out_type=jax.ShapeDtypeStruct((NSC, NPAD, DH), jnp.float32),
        mesh=mesh,
        scratch_types=[
            pltpu.VMEM((NBUF, CE), jnp.int32),
            pltpu.VMEM((NBUF, CE), jnp.int32),
            pltpu.VMEM((NBUF, CE), jnp.int32),
            pltpu.VMEM((NBUF, CE), jnp.float32),
            pltpu.VMEM((NBUF, CE, DH), jnp.float32),
            pltpu.VMEM_SHARED((NPAD, DH), jnp.float32),
            pltpu.SemaphoreType.DMA,
            pltpu.SemaphoreType.DMA,
            pltpu.SemaphoreType.DMA,
            pltpu.SemaphoreType.DMA,
            pltpu.SemaphoreType.DMA,
            pltpu.SemaphoreType.DMA,
            pltpu.SemaphoreType.DMA,
            pltpu.SemaphoreType.DMA,
        ],
    )
    return f(row, col, eid, hx3, ctab3, dis)


@jax.jit
def _deg_call(row):
    mesh = plsc.VectorSubcoreMesh(**_MESH)
    f = pl.kernel(
        _deg_body,
        out_type=jax.ShapeDtypeStruct((NSC, NPAD), jnp.float32),
        mesh=mesh,
        scratch_types=[
            pltpu.VMEM((EPT,), jnp.int32),
            pltpu.VMEM((EPT + 16,), jnp.float32),
            pltpu.VMEM((NPAD // NTILES,), jnp.float32),
            pltpu.VMEM_SHARED((NPAD,), jnp.float32),
        ],
    )
    return f(row)


def _padE(a, fill):
    a2 = a.reshape(NTILES, E // NTILES).astype(jnp.int32)
    return jnp.pad(a2, ((0, 0), (0, EPTP - E // NTILES)),
                   constant_values=fill).reshape(-1)


def _gcn_layer(h, row, col, eid, W, b, root, ctab, deg, dis):
    hx = h @ W + b
    hxp = jnp.zeros((NPAD, D), jnp.float32).at[:N].set(hx)
    hx3 = jnp.stack([hxp[:, :DH], hxp[:, DH:]])
    ctab3 = jnp.stack([ctab[:, :DH], ctab[:, DH:]])
    disp = jnp.zeros((NPAD,), jnp.float32).at[:N].set(dis)
    aggp = _edge_call(_padE(row, 0), _padE(col, N), _padE(eid, 0), hx3, ctab3, disp)
    agg = jnp.concatenate([aggp[0, :N], aggp[1, :N]], axis=1) * dis[:, None]
    return agg + jax.nn.relu(hx + root) / deg[:, None]


def kernel(x, edge_index, edge_attr, batch, atom_tab, bond_tab1, bond_tab2,
           W1, b1, root1, W2, b2, root2, Wg, bg):
    row = edge_index[0]
    col = edge_index[1]
    h = atom_tab[0][x[:, 0]]
    for i in range(1, 9):
        h = h + atom_tab[i][x[:, i]]
    degp = _deg_call(row)
    deg = degp[0, :N] + degp[1, :N] + 1.0
    dis = deg ** -0.5
    eid = (edge_attr[:, 0] + 8 * edge_attr[:, 1] + 64 * edge_attr[:, 2]).astype(jnp.int32)
    ids = jnp.arange(512, dtype=jnp.int32)
    def _ctab(bt):
        return bt[0][ids & 7] + bt[1][(ids >> 3) & 7] + bt[2][(ids >> 6) & 7]
    h = _gcn_layer(h, row, col, eid, W1, b1, root1, _ctab(bond_tab1), deg, dis)
    h = _gcn_layer(h, row, col, eid, W2, b2, root2, _ctab(bond_tab2), deg, dis)
    hg = jax.ops.segment_max(h, batch, num_segments=G)
    return hg @ Wg + bg

# --- scband reference (transcript-rebuilt; emitter-appended) ---
"""Pipeline reference for scband-net-87531433493003 (READ-ONLY COPY).

The authoritative reference and input builder live on the scoring server;
editing this copy changes nothing except your own understanding.
"""

import jax, jax.numpy as jnp
import numpy as np

N = 10000
E = 160000
D = 256
G = 64

def setup_inputs(seed: int = 0):
    key = jax.random.key(seed)
    ks = jax.random.split(key, 16)
    x = jax.random.randint(ks[0], (N, 9), 0, 64)
    edge_index = jax.random.randint(ks[1], (2, E), 0, N)
    edge_attr = jax.random.randint(ks[2], (E, 3), 0, 8)
    batch = jnp.sort(jax.random.randint(ks[3], (N,), 0, G))
    atom_tab = jax.random.normal(ks[4], (9, 128, D), dtype=jnp.float32) * 0.02
    bond_tab1 = jax.random.normal(ks[5], (3, 16, D), dtype=jnp.float32) * 0.02
    bond_tab2 = jax.random.normal(ks[6], (3, 16, D), dtype=jnp.float32) * 0.02
    W1 = jax.random.normal(ks[7], (D, D), dtype=jnp.float32) / np.sqrt(D)
    b1 = jnp.zeros((D,), jnp.float32)
    root1 = jax.random.normal(ks[8], (1, D), dtype=jnp.float32) * 0.02
    W2 = jax.random.normal(ks[9], (D, D), dtype=jnp.float32) / np.sqrt(D)
    b2 = jnp.zeros((D,), jnp.float32)
    root2 = jax.random.normal(ks[10], (1, D), dtype=jnp.float32) * 0.02
    Wg = jax.random.normal(ks[11], (D, 2), dtype=jnp.float32) / np.sqrt(D)
    bg = jnp.zeros((2,), jnp.float32)
    return {"x": x, "edge_index": edge_index, "edge_attr": edge_attr, "batch": batch,
            "atom_tab": atom_tab, "bond_tab1": bond_tab1, "bond_tab2": bond_tab2,
            "W1": W1, "b1": b1, "root1": root1,
            "W2": W2, "b2": b2, "root2": root2,
            "Wg": Wg, "bg": bg}

def _gcn_conv(h, edge_index, edge_attr, W, b, root, bond_tab):
    hx = h @ W + b
    ee = bond_tab[0][edge_attr[:, 0]] + bond_tab[1][edge_attr[:, 1]] + bond_tab[2][edge_attr[:, 2]]
    row = edge_index[0]
    col = edge_index[1]
    deg = jax.ops.segment_sum(jnp.ones((E,), hx.dtype), row, num_segments=N) + 1.0
    dis = deg ** -0.5
    norm = dis[row] * dis[col]
    msg = norm[:, None] * jax.nn.relu(hx[row] + ee)
    agg = jax.ops.segment_sum(msg, col, num_segments=N)
    return agg + jax.nn.relu(hx + root) / deg[:, None]

def reference(x, edge_index, edge_attr, batch, atom_tab, bond_tab1, bond_tab2, W1, b1, root1, W2, b2, root2, Wg, bg):
    h = atom_tab[0][x[:, 0]]
    for i in range(1, 9):
        h = h + atom_tab[i][x[:, i]]
    h = _gcn_conv(h, edge_index, edge_attr, W1, b1, root1, bond_tab1)
    h = _gcn_conv(h, edge_index, edge_attr, W2, b2, root2, bond_tab2)
    hg = jax.ops.segment_max(h, batch, num_segments=G)
    return hg @ Wg + bg

if __name__ == "__main__":
    import jax
    _d = setup_inputs()
    print(jax.jit(kernel)(*tuple(_d.values())))

</pallas_src>

<mosaic_0001>
#map = affine_map<(d0, d1) -> (0)>
#map1 = affine_map<(d0, d1) -> (0, 0)>
module attributes {stable_mosaic.version = 14 : i64} {
  func.func @_deg_body(%arg0: i32, %arg1: i32, %arg2: memref<160000xi32, #tpu.memory_space<hbm>>, %arg3: memref<2x10240xf32, #tpu.memory_space<hbm>>, %arg4: memref<5000xi32, #tpu.memory_space<vmem>>, %arg5: memref<5016xf32, #tpu.memory_space<vmem>>, %arg6: memref<640xf32, #tpu.memory_space<vmem>>, %arg7: memref<10240xf32, #tpu.memory_space<vmem_shared>>) attributes {dimension_semantics = [#tpu.dimension_semantics<core_parallel>, #tpu.dimension_semantics<subcore_parallel>], iteration_bounds = array<i64: 2, 16>, scalar_prefetch = 0 : i64, scratch_operands = 4 : i64, tpu.core_type = #tpu.core_type<sc_vector_subcore>, window_params = [{transform_indices = #map}, {transform_indices = #map1}]} {
    %mul3A = arith.constant 16 : i32
    %mul3A_0 = arith.muli %arg0, %mul3A : i32
    %add3A = arith.addi %mul3A_0, %arg1 : i32
    %broadcast_in_dim3A = arith.constant 0.000000e+00 : f32
    %broadcast_in_dim3A_1 = vector.broadcast %broadcast_in_dim3A : f32 to vector<16xf32>
    %scan3A = arith.constant 0 : i32
    %scan3A_2 = arith.constant 0 : i32
    %scan3A_3 = arith.constant 40 : i32
    %scan3A_4 = arith.addi %scan3A_2, %scan3A_3 : i32
    %scan3A_5 = arith.constant 1 : i32
    %scan3A_6 = scf.for %scan3A_26 = %scan3A_2 to %scan3A_4 step %scan3A_5 iter_args(%scan3A_27 = %scan3A) -> (i32)  : i32 {
      %mul3A_28 = arith.constant 16 : i32
      %mul3A_29 = arith.muli %scan3A_26, %mul3A_28 : i32
      %add3A_30 = arith.constant 0 : i32
      %add3A_31 = arith.addi %add3A_30, %mul3A_29 : i32
      %swap3A = arith.index_cast %add3A_31 : i32 to index
      %swap3A_32 = tpu.vector_load %arg6[%swap3A] {strides = array<i32>} : memref<640xf32, #tpu.memory_space<vmem>>, vector<16xf32>,
      %swap3A_33 = vector.shape_cast %swap3A_32 : vector<16xf32> to vector<16xf32>
      %swap3A_34 = vector.shape_cast %broadcast_in_dim3A_1 : vector<16xf32> to vector<16xf32>
      tpu.vector_store %arg6[%swap3A], %swap3A_34 {strides = array<i32>} : memref<640xf32, #tpu.memory_space<vmem>>, vector<16xf32>,
      %scan3A_35 = arith.constant 0 : i32
      scf.yield %scan3A_35 : i32
    }
    %scan3A_7 = arith.constant 40 : i32
    %mul3A_8 = arith.constant 640 : i32
    %mul3A_9 = arith.muli %arg1, %mul3A_8 : i32
    "tpu.region"() ({
      %run_scoped3A = tpu.sem_alloc : memref<!tpu.dma_semaphore, #tpu.memory_space<semaphore_mem>>
      %dma_start3A = tpu.memref_slice %arg7[%mul3A_9] : memref<10240xf32, #tpu.memory_space<vmem_shared>> -> memref<640xf32, #tpu.memory_space<vmem_shared>>
      %dma_start3A_26 = tpu.memref_slice %arg7[%mul3A_9] : memref<10240xf32, #tpu.memory_space<vmem_shared>> -> memref<640xf32, #tpu.memory_space<vmem_shared>>
      tpu.enqueue_dma source(%arg6 : memref<640xf32, #tpu.memory_space<vmem>>) target(%dma_start3A_26 : memref<640xf32, #tpu.memory_space<vmem_shared>>) target_semaphore(%run_scoped3A : memref<!tpu.dma_semaphore, #tpu.memory_space<semaphore_mem>>)
      %dma_wait3A = tpu.memref_slice %arg7[%mul3A_9] : memref<10240xf32, #tpu.memory_space<vmem_shared>> -> memref<640xf32, #tpu.memory_space<vmem_shared>>
      %dma_wait3A_27 = tpu.memref_slice %arg7[%mul3A_9] : memref<10240xf32, #tpu.memory_space<vmem_shared>> -> memref<640xf32, #tpu.memory_space<vmem_shared>>
      tpu.wait_dma2 semaphore(%run_scoped3A : memref<!tpu.dma_semaphore, #tpu.memory_space<semaphore_mem>>) src(%arg6 : memref<640xf32, #tpu.memory_space<vmem>>) dst(%dma_wait3A_27 : memref<640xf32, #tpu.memory_space<vmem_shared>>)
      tpu.yield
    }) : () -> ()
    %broadcast_in_dim3A_10 = arith.constant 1.000000e+00 : f32
    %broadcast_in_dim3A_11 = vector.broadcast %broadcast_in_dim3A_10 : f32 to vector<16xf32>
    %scan3A_12 = arith.constant 0 : i32
    %scan3A_13 = arith.constant 0 : i32
    %scan3A_14 = arith.constant 313 : i32
    %scan3A_15 = arith.addi %scan3A_13, %scan3A_14 : i32
    %scan3A_16 = arith.constant 1 : i32
    %scan3A_17 = scf.for %scan3A_26 = %scan3A_13 to %scan3A_15 step %scan3A_16 iter_args(%scan3A_27 = %scan3A_12) -> (i32)  : i32 {
      %mul3A_28 = arith.constant 16 : i32
      %mul3A_29 = arith.muli %scan3A_26, %mul3A_28 : i32
      %add3A_30 = arith.constant 0 : i32
      %add3A_31 = arith.addi %add3A_30, %mul3A_29 : i32
      %swap3A = arith.index_cast %add3A_31 : i32 to index
      %swap3A_32 = tpu.vector_load %arg5[%swap3A] {strides = array<i32>} : memref<5016xf32, #tpu.memory_space<vmem>>, vector<16xf32>,
      %swap3A_33 = vector.shape_cast %swap3A_32 : vector<16xf32> to vector<16xf32>
      %swap3A_34 = vector.shape_cast %broadcast_in_dim3A_11 : vector<16xf32> to vector<16xf32>
      tpu.vector_store %arg5[%swap3A], %swap3A_34 {strides = array<i32>} : memref<5016xf32, #tpu.memory_space<vmem>>, vector<16xf32>,
      %scan3A_35 = arith.constant 0 : i32
      scf.yield %scan3A_35 : i32
    }
    %scan3A_18 = arith.constant 313 : i32
    %mul3A_19 = arith.constant 5000 : i32
    %mul3A_20 = arith.muli %add3A, %mul3A_19 : i32
    "tpu.region"() ({
      %run_scoped3A = tpu.sem_alloc : memref<!tpu.dma_semaphore, #tpu.memory_space<semaphore_mem>>
      %dma_start3A = tpu.memref_slice %arg2[%mul3A_20] : memref<160000xi32, #tpu.memory_space<hbm>> -> memref<5000xi32, #tpu.memory_space<hbm>>
      %dma_start3A_26 = tpu.memref_slice %arg2[%mul3A_20] : memref<160000xi32, #tpu.memory_space<hbm>> -> memref<5000xi32, #tpu.memory_space<hbm>>
      tpu.enqueue_dma source(%dma_start3A_26 : memref<5000xi32, #tpu.memory_space<hbm>>) target(%arg4 : memref<5000xi32, #tpu.memory_space<vmem>>) target_semaphore(%run_scoped3A : memref<!tpu.dma_semaphore, #tpu.memory_space<semaphore_mem>>)
      %dma_wait3A = tpu.memref_slice %arg2[%mul3A_20] : memref<160000xi32, #tpu.memory_space<hbm>> -> memref<5000xi32, #tpu.memory_space<hbm>>
      %dma_wait3A_27 = tpu.memref_slice %arg2[%mul3A_20] : memref<160000xi32, #tpu.memory_space<hbm>> -> memref<5000xi32, #tpu.memory_space<hbm>>
      tpu.wait_dma2 semaphore(%run_scoped3A : memref<!tpu.dma_semaphore, #tpu.memory_space<semaphore_mem>>) src(%dma_wait3A_27 : memref<5000xi32, #tpu.memory_space<hbm>>) dst(%arg4 : memref<5000xi32, #tpu.memory_space<vmem>>)
      tpu.yield
    }) : () -> ()
    %barrier3A = arith.constant 0 : index
    tpu.barrier barrier_id(%barrier3A)
    "tpu.region"() ({
      %run_scoped3A = tpu.sem_alloc : memref<!tpu.dma_semaphore, #tpu.memory_space<semaphore_mem>>
      %dma_start3A = arith.constant 0 : i32
      %dma_start3A_26 = tpu.memref_slice %arg5[%dma_start3A] : memref<5016xf32, #tpu.memory_space<vmem>> -> memref<5000xf32, #tpu.memory_space<vmem>>
      %dma_start3A_27 = arith.constant 0 : i32
      %dma_start3A_28 = tpu.memref_slice %arg7[%dma_start3A_27] : memref<10240xf32, #tpu.memory_space<vmem_shared>> -> memref<10240xf32, #tpu.memory_space<vmem_shared>>
      tpu.enqueue_indirect_dma source(%dma_start3A_26 : memref<5000xf32, #tpu.memory_space<vmem>>) target(%dma_start3A_28 : memref<10240xf32, #tpu.memory_space<vmem_shared>>) offsets(%arg4 : memref<5000xi32, #tpu.memory_space<vmem>>) semaphore(%run_scoped3A : memref<!tpu.dma_semaphore, #tpu.memory_space<semaphore_mem>>) {add = true}
      %dma_wait3A = arith.constant 0 : i32
      %dma_wait3A_29 = tpu.memref_slice %arg5[%dma_wait3A] : memref<5016xf32, #tpu.memory_space<vmem>> -> memref<5000xf32, #tpu.memory_space<vmem>>
      %dma_wait3A_30 = arith.constant 0 : i32
      %dma_wait3A_31 = tpu.memref_slice %arg7[%dma_wait3A_30] : memref<10240xf32, #tpu.memory_space<vmem_shared>> -> memref<10240xf32, #tpu.memory_space<vmem_shared>>
      tpu.wait_indirect_dma semaphore(%run_scoped3A : memref<!tpu.dma_semaphore, #tpu.memory_space<semaphore_mem>>) src(%dma_wait3A_29 : memref<5000xf32, #tpu.memory_space<vmem>>) dst(%dma_wait3A_31 : memref<10240xf32, #tpu.memory_space<vmem_shared>>)
      tpu.yield
    }) : () -> ()
    %barrier3A_21 = arith.constant 0 : index
    tpu.barrier barrier_id(%barrier3A_21)
    %mul3A_22 = arith.constant 640 : i32
    %mul3A_23 = arith.muli %arg1, %mul3A_22 : i32
    %mul3A_24 = arith.constant 640 : i32
    %mul3A_25 = arith.muli %arg1, %mul3A_24 : i32
    "tpu.region"() ({
      %run_scoped3A = tpu.sem_alloc : memref<!tpu.dma_semaphore, #tpu.memory_space<semaphore_mem>>
      %dma_start3A = tpu.memref_slice %arg3[%arg0, %mul3A_25] : memref<2x10240xf32, #tpu.memory_space<hbm>> -> memref<1x640xf32, #tpu.memory_space<hbm>>
      %dma_start3A_26 = tpu.memref_squeeze %dma_start3A : memref<1x640xf32, #tpu.memory_space<hbm>> -> memref<640xf32, #tpu.memory_space<hbm>>
      %dma_start3A_27 = tpu.memref_slice %arg7[%mul3A_23] : memref<10240xf32, #tpu.memory_space<vmem_shared>> -> memref<640xf32, #tpu.memory_space<vmem_shared>>
      tpu.enqueue_dma source(%dma_start3A_27 : memref<640xf32, #tpu.memory_space<vmem_shared>>) target(%dma_start3A_26 : memref<640xf32, #tpu.memory_space<hbm>>) target_semaphore(%run_scoped3A : memref<!tpu.dma_semaphore, #tpu.memory_space<semaphore_mem>>)
      %dma_wait3A = tpu.memref_slice %arg3[%arg0, %mul3A_25] : memref<2x10240xf32, #tpu.memory_space<hbm>> -> memref<1x640xf32, #tpu.memory_space<hbm>>
      %dma_wait3A_28 = tpu.memref_squeeze %dma_wait3A : memref<1x640xf32, #tpu.memory_space<hbm>> -> memref<640xf32, #tpu.memory_space<hbm>>
      %dma_wait3A_29 = tpu.memref_slice %arg7[%mul3A_23] : memref<10240xf32, #tpu.memory_space<vmem_shared>> -> memref<640xf32, #tpu.memory_space<vmem_shared>>
      tpu.wait_dma2 semaphore(%run_scoped3A : memref<!tpu.dma_semaphore, #tpu.memory_space<semaphore_mem>>) src(%dma_wait3A_29 : memref<640xf32, #tpu.memory_space<vmem_shared>>) dst(%dma_wait3A_28 : memref<640xf32, #tpu.memory_space<hbm>>)
      tpu.yield
    }) : () -> ()
    return
  }
}

</mosaic_0001>

<sc_bundles>
// kernel: _deg_call.3.cloned.1.call-start
scs
__scs_entry_jumppad:
0x0: {  	(pc) =	sbr.rel $0x88, $3  }
0x1: {  	(tag) =	ssettag $0x0;
	lr =	simm.s32 $0x1  }
0x2: {  	[smem:$0x3FA0] =	sst lr;
	_ =	strace $0xD0000000  }
0x3: {  	_ = 	snop  }
0x4: {  	_ = 	snop  }
0x5: {  	_ = 	snop  }
0x6: {  	_ = 	snop  }
0x7: {  	_ = 	snop  }
__scs_overlays_trampoline_lowered:
0x8: {  	[smem:$0x3FAF] =	sst s0  }
0x9: {  	[smem:$0x3FB0] =	sst s1  }
0xa: {  	[smem:$0x3FB1] =	sst s2  }
0xb: {  	[smem:$0x3FB2] =	sst s3  }
0xc: {  	[smem:$0x3FB3] =	sst s4  }
0xd: {  	[smem:$0x3FB4] =	sst s5  }
0xe: {  	[smem:$0x3FB5] =	sst s6  }
0xf: {  	[smem:$0x3FB6] =	sst s7  }
0x10: {  	[smem:$0x3FB7] =	sst s8  }
0x11: {  	[smem:$0x3FB8] =	sst s9;
	s0 =	simm.s32 @!p0 $0x0  }
0x12: {  	s1 =	sld [smem:$0x3F9E];
	s0 =	simm.s32 @p0 $0x1  }
0x13: {  	[smem:$0x3FB9] =	sst s0;
	s0 =	simm.s32 @!p1 $0x0  }
0x14: {  	s2 =	sld [smem:$0x3F9D];
	s0 =	simm.s32 @p1 $0x1  }
0x15: {  	[smem:$0x3FBA] =	sst s0;
	s0 =	simm.s32 @!p2 $0x0  }
0x16: {  	s3 =	sld [smem:$0x3FDB];
	s0 =	simm.s32 @p2 $0x1  }
0x17: {  	s4 =	simm.s32 $0x1BF5;
	[smem:$0x3FBC] =	sst s0  }
0x18: {  	s0 =	sld [smem:$0x3F9F];
	_ =	swait.ge [sflag:s4], $0x0  }
0x19: {  	s7 =	sld [smem:$0x3FA0]  }
0x1a: {  	s8 =	sadd.s32 $0xFFFFE003, lr  }
0x1b: {  	s9 =	sadd.s32 $0xFFFFFEF7, lr;
	s5 =	simm.s32 $0xFFFFFFFF;
	p2 =	slt.u32 s8, $0xFFFFF086  }
0x1c: {  	p1 =	slt.u32 s9, $0xF7A;
	s5 =	simm.s32 @!p2 $0x0  }
0x1d: {  	s5 =	simm.s32 @p1 $0x1;
	p0 =	seq.s32 s7, s2  }
0x1e: {  	s7 =	smul.u32 @!p0 $0xF7A, s2;
	p2 =	seq.s32 @!p0 s5, $0x0  }
0x1f: {  	s9 =	smul.u32 $0xF7A, s1;
	s8 =	simm.s32 @!p0 $0x1BF5;
	p2 =	por !p2, p0  }
0x20: {  	[sflag:s8] =	ssyncset.s32 @!p0 $0xFFFFF086;
	s6 =	sadd.s32 @!p0 s3, s7;
	s7 =	simm.s32 @!p0 $0x108  }
0x21: {  	s3 =	sadd.s32 s3, s9;
	s6 =	sadd.s32 @!p0 $0x88, s6;
	s7 =	simm.s32 @p2 $0x1082  }
0x22: {  	[simem:s7], [sflag:s8] =	dma.local @!p0 [hbm:s6], $0xF7A  }
0x23: {  	s9 =	sor.u32 $0xD0000000, s2;
	s6 =	simm.s32 $0x108;
	_ =	swait.ge @!p0 [sflag:s8], $0x0  }
0x24: {  	s3 =	sadd.s32 $0x88, s3;
	s6 =	simm.s32 @!p1 $0x1082;
	[sflag:s4] =	ssyncset.s32 $0xFFFFF086  }
0x25: {  	[simem:s6], [sflag:s4] =	dma.local [hbm:s3], $0xF7A  }
0x26: {  	[smem:$0x3FA0] =	sst s1;
	(tag) =	ssettag s2;
	_ =	strace s9  }
0x27: {  	s1 =	sld [smem:$0x3FB0]  }
0x28: {  	s2 =	sld [smem:$0x3FB1]  }
0x29: {  	s4 =	sld [smem:$0x3FB3]  }
0x2a: {  	p0 =	seq.s32 s5, $0x0;
	s5 =	sld [smem:$0x3FB4]  }
0x2b: {  	s6 =	sld [smem:$0x3FB5]  }
0x2c: {  	s7 =	sld [smem:$0x3FB6]  }
0x2d: {  	s3 =	simm.s32 $0x108;
	s8 =	sld [smem:$0x3FB7]  }
0x2e: {  	s3 =	simm.s32 @!p0 $0x1082;
	s9 =	sld [smem:$0x3FB8]  }
0x2f: {  	lr =	sadd.s32 s0, s3;
	s0 =	sld [smem:$0x3FAF]  }
0x30: {  	s3 =	sld [smem:$0x3FB2]  }
0x31: {  	[smem:$0x3FBB] =	sst s10  }
0x32: {  	s10 =	sld [smem:$0x3FB9];
	_ =	sdelay $0x3  }
0x33: {  	p0 =	seq.s32 s10, $0x1;
	s10 =	sld [smem:$0x3FBB];
	_ =	sdelay $0x3  }
0x34: {  	[smem:$0x3FBB] =	sst s10  }
0x35: {  	s10 =	sld [smem:$0x3FBA];
	_ =	sdelay $0x3  }
0x36: {  	p1 =	seq.s32 s10, $0x1;
	s10 =	sld [smem:$0x3FBB];
	_ =	sdelay $0x3  }
0x37: {  	[smem:$0x3FBB] =	sst s10  }
0x38: {  	s10 =	sld [smem:$0x3FBC]  }
0x39: {  	_ = 	snop;
	(pc) =	sbr.ind lr, $3  }
0x3a: {  	_ = 	snop  }
0x3b: {  	_ = 	snop  }
0x3c: {  	p2 =	seq.s32 s10, $0x1;
	s10 =	sld [smem:$0x3FBB]  }
0x3d: {  	_ =	shalt  }
0x3e: {  	_ =	shalt  }
0x3f: {  	_ =	shalt  }
0x40: {  	_ =	shalt  }
0x41: {  	_ =	shalt  }
0x42: {  	_ =	shalt  }
0x43: {  	_ =	shalt  }
0x44: {  	_ =	shalt  }
0x45: {  	_ =	shalt  }
0x46: {  	_ =	shalt  }
0x47: {  	_ =	shalt  }
0x48: {  	_ =	shalt  }
0x49: {  	_ =	shalt  }
0x4a: {  	_ =	shalt  }
0x4b: {  	_ =	shalt  }
0x4c: {  	_ =	shalt  }
0x4d: {  	_ =	shalt  }
0x4e: {  	_ =	shalt  }
0x4f: {  	_ =	shalt  }
0x50: {  	_ =	shalt  }
0x51: {  	_ =	shalt  }
0x52: {  	_ =	shalt  }
0x53: {  	_ =	shalt  }
0x54: {  	_ =	shalt  }
0x55: {  	_ =	shalt  }
0x56: {  	_ =	shalt  }
0x57: {  	_ =	shalt  }
0x58: {  	_ =	shalt  }
0x59: {  	_ =	shalt  }
0x5a: {  	_ =	shalt  }
0x5b: {  	_ =	shalt  }
0x5c: {  	_ =	shalt  }
0x5d: {  	_ =	shalt  }
0x5e: {  	_ =	shalt  }
0x5f: {  	_ =	shalt  }
0x60: {  	_ =	shalt  }
0x61: {  	_ =	shalt  }
0x62: {  	_ =	shalt  }
0x63: {  	_ =	shalt  }
0x64: {  	_ =	shalt  }
0x65: {  	_ =	shalt  }
0x66: {  	_ =	shalt  }
0x67: {  	_ =	shalt  }
0x68: {  	_ =	shalt  }
0x69: {  	_ =	shalt  }
0x6a: {  	_ =	shalt  }
0x6b: {  	_ =	shalt  }
0x6c: {  	_ =	shalt  }
0x6d: {  	_ =	shalt  }
0x6e: {  	_ =	shalt  }
0x6f: {  	_ =	shalt  }
0x70: {  	_ =	shalt  }
0x71: {  	_ =	shalt  }
0x72: {  	_ =	shalt  }
0x73: {  	_ =	shalt  }
0x74: {  	_ =	shalt  }
0x75: {  	_ =	shalt  }
0x76: {  	_ =	shalt  }
0x77: {  	_ =	shalt  }
0x78: {  	_ =	shalt  }
0x79: {  	_ =	shalt  }
0x7a: {  	_ =	shalt  }
0x7b: {  	_ =	shalt  }
0x7c: {  	_ =	shalt  }
0x7d: {  	_ =	shalt  }
0x7e: {  	_ =	shalt  }
0x7f: {  	_ =	shalt  }
0x80: {  	_ =	shalt  }
0x81: {  	_ =	shalt  }
0x82: {  	_ =	shalt  }
0x83: {  	_ =	shalt  }
0x84: {  	_ =	shalt  }
0x85: {  	_ =	shalt  }
0x86: {  	_ =	shalt  }
0x87: {  	_ =	shalt  }
.Lfunc_end0:
.L_simem_size_0:
called_computation_lowered:
.L_overlay_start_0:
0x88: {  	s2 =	sld [smem:$0x3FD9]  }
0x89: {  	s3 =	sld [smem:$0x3FFE];
	_ =	sdelay $0x1  }
0x8a: {  	s1 =	srdreg.scid  }
0x8b: {  	s0 =	sand.u32 $0x1, s1  }
0x8c: {  	s18 =	sshll.u32 s0, $0xA;
	s2 =	sadd.s32 s3, s2  }
0x8d: {  	s2 =	sadd.s32 s2, s18  }
0x8e: {  	[smem:$0x3FC7] =	sst s2  }
0x8f: {  	_ = 	snop  }
0x90: {  	s2 =	sld [smem:$0x3FC9]  }
0x91: {  	s19 =	sld [smem:$0x3FD0];
	(tm) =	ssettm $0x1  }
0x92: {  	s4 =	sld [smem:$0x3FFB];
	_ =	sdelay $0x3  }
0x93: {  	_ =	strace s4  }
0x94: {  	s4 =	sld [smem:$0x3FFC];
	_ =	sdelay $0x3  }
0x95: {  	_ =	strace s4  }
0x96: {  	s4 =	sld [smem:$0x3FFD];
	_ =	sdelay $0x3  }
0x97: {  	_ =	strace s4  }
0x98: {  	_ =	strace $0x8FFFFFFF  }
0x99: {  	s20 =	sld [smem:$0x3FDB];
	_ =	sdelay $0x1  }
0x9a: {  	s5 =	simm.s32 $_scs_section_size  }
0x9b: {  	s6 =	simm.s32 $_size__tile_overlayer_lowered;
	s7 =	simm.s32 $_tile_overlayer_lowered  }
0x9c: {  	s23 =	simm.s32 $0x1BFF;
	s22 =	sshll.u32 s7, $0x1;
	s4 =	sadd.s32 s5, s20  }
0x9d: {  	s8 =	simm.s32 $0x0;
	s21 =	sshll.u32 s6, $0x1;
	s6 =	sadd.s32 s22, s4  }
0x9e: {  	[timem:s8], [sflag:s23] =	dma.local [hbm:s6], s21  }
0x9f: {  	_ =	swait.ge [sflag:s23], s21  }
0xa0: {  	s5 =	ssub.s32 $0x0, s21;
	[sflag:s23] =	ssyncset.done $0x0  }
0xa1: {  	[sflag:s23] =	ssyncadd.s32 s5;
	_ =	sdelay $0x1  }
0xa2: {  	s24 =	simm.s32 $0x1B8B  }
0xa3: {  	_ =	swait.ge [sflag:s24], $0x1  }
0xa4: {  	[sflag:s24] =	ssyncset.done $0x0  }
0xa5: {  	s25 =	simm.s32 $0x1B8E;
	[sflag:s24] =	ssyncadd.s32 $0xFFFFFFFF  }
0xa6: {  	s26 =	simm.s32 $execute0_lowered;
	[smem:$0x3FD2] =	sst s25  }
0xa7: {  	s5 =	sshll.u32 s26, $0x1;
	_ =	strace $0x80000046;
	[dreg:$0x1] =	wrdreg $0xFFFFFFFF  }
0xa8: {  	s28 =	simm.s32 $_size_execute0_lowered;
	s4 =	sadd.s32 s4, s5;
	[dreg:$0x0] =	wrdreg $0x0  }
0xa9: {  	s5 =	sshll.u32 s28, $0x1;
	[dreg:$0x2] =	wrdreg s4  }
0xaa: {  	[dreg:$0x3] =	wrdreg s5  }
0xab: {  	[dreg:$0x4] =	wrdreg $0xC0  }
0xac: {  	_ =	task [dreg:s8], $0x5FFFF  }
0xad: {  	[dreg:$0x1] =	wrdreg $0xFFFFFFFF  }
0xae: {  	[dreg:$0x0] =	wrdreg $0x60  }
0xaf: {  	[dreg:$0x2] =	wrdreg s2  }
0xb0: {  	[dreg:$0x3] =	wrdreg s19  }
0xb1: {  	[dreg:$0x4] =	wrdreg $0x2A800  }
0xb2: {  	[dreg:$0x5] =	wrdreg $0x9  }
0xb3: {  	_ =	task.clear_ibuf [dreg:s8], $0x6FFFF;
	_ =	strace $0x90000046  }
0xb4: {  	s29 =	simm.s32 $0x9;
	_ =	strace $0x80000048  }
0xb5: {  	_ =	swait.ge [sflag:s29], $0x1  }
0xb6: {  	[sflag:s29] =	ssyncadd.s32 $0xFFFFFFFF  }
0xb7: {  	_ =	strace $0x90000048  }
0xb8: {  	_ =	sfence  }
0xb9: {  	s30 =	sld [smem:$0x0];
	_ =	sdelay $0x2  }
0xba: {  	s31 =	sshll.u32 s1, $0xD;
	s1 =	sshrl.u32 s1, $0x2  }
0xbb: {  	s3 =	sand.u32 $0x4000, s31;
	s1 =	sadd.s32 s1, s30  }
0xbc: {  	s0 =	sor.u32 s3, s0;
	s1 =	sshll.u32 s1, $0x11  }
0xbd: {  	s0 =	sor.u32 s1, s0  }
0xbe: {  	s0 =	sadd.s32 $0x8F2B, s0  }
0xbf: {  	[sflag:s0] =	ssyncadd.remote.s32 $0x1  }
0xc0: {  	_ =	sfence.sel $0xFFFF  }
0xc1: {  	[dreg:$0x0] =	wrdreg $0xFFFFFFFF;
	(pc) =	sbr.abs _section_cstart, $3  }
0xc2: {  	[dreg:$0x1] =	wrdreg $0xFFFFFFFF  }
0xc3: {  	_ =	task.clear_ibuf [dreg:s8], $0x2FFFF;
	_ =	strace $0x9FFFFFFF  }
0xc4: {  	(tm) =	ssettm $0x7FFFFFFF  }
0xc5: {  	_ =	shalt  }
tec
execute0_lowered:
.L_overlay_start_1:
0x0: {  	(tag) =	ssettag $0x1  }
0x1: {  	s5 =	rddreg [dreg:$0x0]  }
0x2: {  	s6 =	rddreg [dreg:$0x1]  }
0x3: {  	s1 =	rddreg [dreg:$0x2]  }
0x4: {  	s0 =	rddreg [dreg:$0x3];
	s3 =	simm.s32 $0x0;
	s4 =	srdreg.scid  }
0x5: {  	s2 =	stileid.u32;
	s14 =	simm.s32 $0x20;
	s15 =	simm.s32 $0x10  }
0x6: {  	s16 =	simm.s32 $0x0;
	[smem:$0x7FF] =	sst s3;
	s8 =	smul.u32 $0xA00, s2  }
0x7: {  	s4 =	sand.u32 $0x1, s4;
	s10 =	smul.u32 $0x500, s2;
	s12 =	sshll.u32 s2, $0x6  }
0x8: {  	_ =	strace $0x80000047;
	s7 =	sshll.u32 s4, $0x4;
	s9 =	ssub.s32 $0x2, s4  }
0x9: {  	s4 =	sshll.u32 s4, $0x7;
	s12 =	sor.u32 $0x1C01, s12;
	s7 =	sor.u32 s2, s7  }
0xa: {  	s11 =	sshrl.u32 s9, $0x1;
	s8 =	sshrl.u32 s8, $0x2;
	s10 =	sor.u32 s4, s10  }
0xb: {  	s7 =	smul.u32 $0x271, s7;
	s9 =	ssub.s32 s9, s11;
	s4 =	sadd.s32 s8, s1  }
0xc: {  	s31 =	sshrl.u32 s10, $0x3;
	s8 =	simm.s32 $0x2800;
	s10 =	simm.s32 $0x1388  }
0xd: {  	s11 =	simm.s32 $0x1400;
	s6 =	sadd.s32 s6, s31;
	s13 =	sshrl.u32 s4, $0x3  }
0xe: {  	v0 =	vimm.f32 $0.0e+00;
	v1 =	vimm.f32 $1.000000000e+00;
	s5 =	sadd.s32 s5, s7;
	s7 =	smax.u32 s9, $0x1;
	s9 =	simm.s32 $0x1  }
.LBB2_1:
0xf: {  	[tilespmem:$0x2800] =	vst v0  }
0x10: {  	[tilespmem:$0x2810] =	vst v0  }
0x11: {  	[tilespmem:$0x2820] =	vst v0  }
0x12: {  	[tilespmem:$0x2830] =	vst v0  }
0x13: {  	[tilespmem:$0x2840] =	vst v0  }
0x14: {  	[tilespmem:$0x2850] =	vst v0  }
0x15: {  	[tilespmem:$0x2860] =	vst v0  }
0x16: {  	[tilespmem:$0x2870] =	vst v0  }
0x17: {  	[tilespmem:$0x2880] =	vst v0  }
0x18: {  	[tilespmem:$0x2890] =	vst v0  }
0x19: {  	[tilespmem:$0x28A0] =	vst v0  }
0x1a: {  	[tilespmem:$0x28B0] =	vst v0  }
0x1b: {  	[tilespmem:$0x28C0] =	vst v0  }
0x1c: {  	[tilespmem:$0x28D0] =	vst v0  }
0x1d: {  	[tilespmem:$0x28E0] =	vst v0  }
0x1e: {  	[tilespmem:$0x28F0] =	vst v0  }
0x1f: {  	[tilespmem:$0x2900] =	vst v0  }
0x20: {  	[tilespmem:$0x2910] =	vst v0  }
0x21: {  	[tilespmem:$0x2920] =	vst v0  }
0x22: {  	[tilespmem:$0x2930] =	vst v0  }
0x23: {  	[tilespmem:$0x2940] =	vst v0  }
0x24: {  	[tilespmem:$0x2950] =	vst v0  }
0x25: {  	[tilespmem:$0x2960] =	vst v0  }
0x26: {  	[tilespmem:$0x2970] =	vst v0  }
0x27: {  	[tilespmem:$0x2980] =	vst v0  }
0x28: {  	[tilespmem:$0x2990] =	vst v0  }
0x29: {  	[tilespmem:$0x29A0] =	vst v0  }
0x2a: {  	[tilespmem:$0x29B0] =	vst v0  }
0x2b: {  	[tilespmem:$0x29C0] =	vst v0  }
0x2c: {  	[tilespmem:$0x29D0] =	vst v0  }
0x2d: {  	[tilespmem:$0x29E0] =	vst v0  }
0x2e: {  	[tilespmem:$0x29F0] =	vst v0  }
0x2f: {  	[tilespmem:$0x2A00] =	vst v0  }
0x30: {  	[tilespmem:$0x2A10] =	vst v0  }
0x31: {  	[tilespmem:$0x2A20] =	vst v0  }
0x32: {  	[tilespmem:$0x2A30] =	vst v0  }
0x33: {  	[tilespmem:$0x2A40] =	vst v0  }
0x34: {  	[tilespmem:$0x2A50] =	vst v0  }
0x35: {  	[tilespmem:$0x2A60] =	vst v0  }
0x36: {  	[tilespmem:$0x2A70] =	vst v0  }
0x37: {  	[spmem:s4] =	stream.linear.scatter [tilespmem:s8], [sflag:$0x1], $0x280, $0x38;
	[tilespmem:$0x2D00] =	vst v63  }
0x38: {  	_ =	swait.ge [sflag:s9], $0x280  }
0x39: {  	[sflag:s9] =	ssyncset.done $0x0  }
0x3a: {  	s17 =	simm.s32 $0x40;
	s18 =	simm.s32 $0x0;
	[sflag:s9] =	ssyncadd.s32 $0xFFFFFD80  }
.LBB2_2:
0x3b: {  	p0 =	sne.s32 s17, $0x4E00;
	[tilespmem:s18+$0x1400] =	vst v1;
	s18 =	smov.u32 s17;
	s17 =	sadd.s32 $0x40, s17  }
.Ltmp0:
0x3c: {  	(pc) =	sbr.rel @p0 .LBB2_2-.Ltmp0, $2  }
0x3d: {  	_ =	sdelay $0x2  }
0x3e: {  	s18 =	sshra.s32 s18, $0x2  }
0x3f: {  	[tilespmem:s18+$0x1400] =	vst v1  }
0x40: {  	[tilespmem:s3], [sflag:$0x1] =	stream.linear.gather [hbm4b:s5+s3], $0x1388, $0x38;
	[tilespmem:$0x2D00] =	vst v63  }
0x41: {  	_ =	swait.ge [sflag:s9], $0x1388  }
0x42: {  	[sflag:s9] =	ssyncset.done $0x0  }
0x43: {  	[sflag:s9] =	ssyncadd.s32 $0xFFFFEC78  }
0x44: {  	[bflag:$0x0] =	sbarrier.arrive $0xFFFF  }
0x45: {  	[spmem:s1] =	stream.indirect.scatter.add.f32 [tilespmem:s11], [sflag:$0x1], $0x1, s3, s10, $0xb8;
	[tilespmem:$0x2D00] =	vst v63  }
0x46: {  	_ =	swait.ge [sflag:s9], $0x1388  }
0x47: {  	s16 =	sadd.s32 $0x1, s16;
	[sflag:s9] =	ssyncset.done $0x0  }
0x48: {  	p0 =	sne.s32 s16, s7;
	[sflag:s9] =	ssyncadd.s32 $0xFFFFEC78  }
.Ltmp1:
0x49: {  	[bflag:$0x0] =	sbarrier.arrive $0xFFFF;
	(pc) =	sbr.rel @p0 .LBB2_1-.Ltmp1, $4  }
0x4a: {  	[hbm:s6@s14], [sflag:s12] =	dma.strided [spmem:s13@s15], $0x50, s9, $0x10   }
0x4b: {  	_ =	swait.ge [sflag:s9], $0x50  }
0x4c: {  	[sflag:s9] =	ssyncset.done $0x0  }
0x4d: {  	[sflag:s9] =	ssyncadd.s32 $0xFFFFFFB0  }
0x4e: {  	_ =	sfence.sel $0x180000  }
0x4f: {  	[bflag:$0x0] =	sbarrier.arrive $0xFFFF  }
0x50: {  	p0 =	sne.s32 s2, $0x0;
	_ =	strace $0x90000047  }
0x51: {  	s0 =	sadd.s32 @!p0 $0x100000, s0;
	[bflag:$0x2] =	sbarrier.arrive $0xFFFF  }
0x52: {  	[sflag:s0] =	ssyncadd.tile.s32 @!p0 $0x1;
	_ =	shalt  }
.Lfunc_end2:
_tile_overlayer_lowered:
.L_overlay_start_2:
0x53: {  	(tag) =	ssettag $0x2  }
0x54: {  	s0 =	rddreg [dreg:$0x0];
	s2 =	stileid.u32  }
0x55: {  	s1 =	rddreg [dreg:$0x1];
	p0 =	sne.s32 s2, $0x0  }
0x56: {  	s3 =	rddreg [dreg:$0x2];
	[bflag:$0x3] =	sbarrier.arrive $0xFFFF;
	s2 =	simm.s32 @!p0 $0x1C01  }
0x57: {  	[timem:s3], [sflag:s2] =	dma.local @!p0 [hbm:s0], s1  }
0x58: {  	s0 =	simm.s32 @!p0 $0x1  }
0x59: {  	_ =	swait.ge @!p0 [sflag:s0], s1  }
0x5a: {  	s1 =	ssub.s32 @!p0 $0x0, s1;
	[sflag:s0] =	ssyncset.done @!p0 $0x0  }
0x5b: {  	[sflag:s0] =	ssyncadd.s32 @!p0 s1  }
0x5c: {  	[bflag:$0x3] =	sbarrier.arrive $0xFFFF  }
0x5d: {  	_ =	shalt  }

</sc_bundles>
